<compile_context>
chip_gen: v7x
topology: tpu7x:2x2x1
jax: 0.10.2.dev20260603
libtpu: 0.0.44.dev20260713+nightly
codegen_flags: <defaults>
</compile_context>

<pallas_src>
import jax
import jax.numpy as jnp
from jax import lax
from jax.experimental import pallas as pl
from jax.experimental.pallas import tpu as pltpu, tpu_sc as plsc

_LANES = 16
_NUM_WORKERS = 16
_NUM_CORES = 1
_UNROLL = 2


def _per_worker(n):
    return -(-n // (_NUM_WORKERS * _LANES)) * _LANES


def _sc_body(energy_hbm, types_hbm, scales_hbm, shifts_hbm, out_hbm,
             energy_v, types_v, out_v, scales_v, shifts_v, sem0):
    wid = lax.axis_index("s") * _NUM_CORES + lax.axis_index("c")
    n = energy_hbm.shape[0]
    per_w = _per_worker(n)
    base = jnp.minimum(wid * per_w, n - per_w)
    cps = [
        pltpu.make_async_copy(
            types_hbm.at[pl.ds(base, per_w)], types_v, sem0),
        pltpu.make_async_copy(
            energy_hbm.at[pl.ds(base, per_w)], energy_v, sem0),
        pltpu.make_async_copy(scales_hbm, scales_v, sem0),
        pltpu.make_async_copy(shifts_hbm, shifts_v, sem0),
    ]
    for cp in cps:
        cp.start()
    for cp in cps:
        cp.wait()

    n_vec = per_w // _LANES

    def do_vec(sl):
        t = types_v[sl]
        s = plsc.load_gather(scales_v, [t])
        b = plsc.load_gather(shifts_v, [t])
        out_v[sl] = b + s * energy_v[sl]

    def step(i, carry):
        i0 = i * (_LANES * _UNROLL)
        for u in range(_UNROLL):
            do_vec(pl.ds(i0 + u * _LANES, _LANES))
        return carry

    lax.fori_loop(0, n_vec // _UNROLL, step, 0)
    for v in range(n_vec - n_vec % _UNROLL, n_vec):
        do_vec(pl.ds(v * _LANES, _LANES))

    pltpu.sync_copy(out_v, out_hbm.at[pl.ds(base, per_w)])


def _make_sc_call(n, num_types):
    per_w = _per_worker(n)
    mesh = plsc.VectorSubcoreMesh(
        core_axis_name="c", subcore_axis_name="s", num_cores=_NUM_CORES)
    return pl.kernel(
        _sc_body,
        out_type=jax.ShapeDtypeStruct((n,), jnp.float32),
        mesh=mesh,
        scratch_types=[
            pltpu.VMEM((per_w,), jnp.float32),
            pltpu.VMEM((per_w,), jnp.int32),
            pltpu.VMEM((per_w,), jnp.float32),
            pltpu.VMEM((num_types,), jnp.float32),
            pltpu.VMEM((num_types,), jnp.float32),
            pltpu.SemaphoreType.DMA,
        ],
        compiler_params=pltpu.CompilerParams(needs_layout_passes=False),
    )


def kernel(atomic_energy, atom_types, scales, shifts):
    n = atomic_energy.shape[0]
    x = atomic_energy.reshape(-1)
    t = atom_types.reshape(-1).astype(jnp.int32)
    num_types = scales.shape[0]
    per_w = _per_worker(n)
    if n < per_w or n % _LANES or (n - per_w) % 8:
        pad = _NUM_WORKERS * per_w - n
        x = jnp.pad(x, (0, pad))
        t = jnp.pad(t, (0, pad))
        out = _make_sc_call(x.shape[0], num_types)(x, t, scales, shifts)
        return out[:n].reshape(-1, 1)
    out = _make_sc_call(n, num_types)(x, t, scales, shifts)
    return out.reshape(-1, 1)

# --- scband reference (transcript-rebuilt; emitter-appended) ---
"""Pipeline reference for scband-per-type-scale-shift-50697793962057 (READ-ONLY COPY).

The authoritative reference and input builder live on the scoring server;
editing this copy changes nothing except your own understanding.
"""

import jax, jax.numpy as jnp
import numpy as np

NUM_TYPES = 64
N = 100000


def setup_inputs(seed: int = 0) -> dict:
    key = jax.random.key(seed)
    k1, k2, k3, k4 = jax.random.split(key, 4)
    # per-atom scalar field ('0e' irrep -> shape [N, 1])
    atomic_energy = jax.random.normal(k1, (N, 1), dtype=jnp.float32)
    # per-atom type indices in [0, NUM_TYPES)
    atom_types = jax.random.randint(k2, (N,), 0, NUM_TYPES)
    # learnable per-type parameters (trainable path expands scalar init to
    # per-type vectors: scales init 1.0, shifts init 0.0; randomized here
    # so the gather is non-trivial)
    scales = 1.0 + 0.1 * jax.random.normal(k3, (NUM_TYPES,), dtype=jnp.float32)
    shifts = 0.05 * jax.random.normal(k4, (NUM_TYPES,), dtype=jnp.float32)
    return {
        "atomic_energy": atomic_energy,
        "atom_types": atom_types,
        "scales": scales,
        "shifts": shifts,
    }


def reference(atomic_energy, atom_types, scales, shifts):
    # types = data[ATOM_TYPE_KEY].view(-1)
    types = atom_types.reshape(-1)
    # scales = torch.index_select(self.scales, 0, types).view(-1, 1)
    s = jnp.take(scales, types, axis=0).reshape(-1, 1)
    # shifts = torch.index_select(self.shifts, 0, types).view(-1, 1)
    b = jnp.take(shifts, types, axis=0).reshape(-1, 1)
    # in_field = in_field.to(out_dtype); original casts to float64 (global
    # dtype); we keep float32 since jax x64 is disabled by default
    x = atomic_energy.astype(jnp.float32)
    # torch.addcmul(shifts, scales, in_field) == shifts + scales * in_field
    out = b + s * x
    return out

if __name__ == "__main__":
    import jax
    _d = setup_inputs()
    print(jax.jit(kernel)(*tuple(_d.values())))

</pallas_src>

<mosaic_0001>
#map = affine_map<(d0, d1) -> (0)>
module attributes {stable_mosaic.version = 14 : i64} {
  func.func @_sc_body(%arg0: i32, %arg1: i32, %arg2: memref<100000xf32, #tpu.memory_space<hbm>>, %arg3: memref<100000xi32, #tpu.memory_space<hbm>>, %arg4: memref<64xf32, #tpu.memory_space<hbm>>, %arg5: memref<64xf32, #tpu.memory_space<hbm>>, %arg6: memref<100000xf32, #tpu.memory_space<hbm>>, %arg7: memref<6256xf32, #tpu.memory_space<vmem>>, %arg8: memref<6256xi32, #tpu.memory_space<vmem>>, %arg9: memref<6256xf32, #tpu.memory_space<vmem>>, %arg10: memref<64xf32, #tpu.memory_space<vmem>>, %arg11: memref<64xf32, #tpu.memory_space<vmem>>, %arg12: memref<!tpu.dma_semaphore, #tpu.memory_space<semaphore_mem>>) attributes {dimension_semantics = [#tpu.dimension_semantics<core_parallel>, #tpu.dimension_semantics<subcore_parallel>], iteration_bounds = array<i64: 1, 16>, scalar_prefetch = 0 : i64, scratch_operands = 6 : i64, tpu.core_type = #tpu.core_type<sc_vector_subcore>, window_params = [{transform_indices = #map}, {transform_indices = #map}, {transform_indices = #map}, {transform_indices = #map}, {transform_indices = #map}]} {
    %mul3A = arith.constant 1 : i32
    %mul3A_0 = arith.muli %arg1, %mul3A : i32
    %add3A = arith.addi %mul3A_0, %arg0 : i32
    %mul3A_1 = arith.constant 6256 : i32
    %mul3A_2 = arith.muli %add3A, %mul3A_1 : i32
    %min3A = arith.constant 93744 : i32
    %min3A_3 = arith.minsi %mul3A_2, %min3A : i32
    %dma_start3A = tpu.memref_slice %arg3[%min3A_3] : memref<100000xi32, #tpu.memory_space<hbm>> -> memref<6256xi32, #tpu.memory_space<hbm>>
    %dma_start3A_4 = tpu.memref_slice %arg3[%min3A_3] : memref<100000xi32, #tpu.memory_space<hbm>> -> memref<6256xi32, #tpu.memory_space<hbm>>
    tpu.enqueue_dma source(%dma_start3A_4 : memref<6256xi32, #tpu.memory_space<hbm>>) target(%arg8 : memref<6256xi32, #tpu.memory_space<vmem>>) target_semaphore(%arg12 : memref<!tpu.dma_semaphore, #tpu.memory_space<semaphore_mem>>)
    %dma_start3A_5 = tpu.memref_slice %arg2[%min3A_3] : memref<100000xf32, #tpu.memory_space<hbm>> -> memref<6256xf32, #tpu.memory_space<hbm>>
    %dma_start3A_6 = tpu.memref_slice %arg2[%min3A_3] : memref<100000xf32, #tpu.memory_space<hbm>> -> memref<6256xf32, #tpu.memory_space<hbm>>
    tpu.enqueue_dma source(%dma_start3A_6 : memref<6256xf32, #tpu.memory_space<hbm>>) target(%arg7 : memref<6256xf32, #tpu.memory_space<vmem>>) target_semaphore(%arg12 : memref<!tpu.dma_semaphore, #tpu.memory_space<semaphore_mem>>)
    tpu.enqueue_dma source(%arg4 : memref<64xf32, #tpu.memory_space<hbm>>) target(%arg10 : memref<64xf32, #tpu.memory_space<vmem>>) target_semaphore(%arg12 : memref<!tpu.dma_semaphore, #tpu.memory_space<semaphore_mem>>)
    tpu.enqueue_dma source(%arg5 : memref<64xf32, #tpu.memory_space<hbm>>) target(%arg11 : memref<64xf32, #tpu.memory_space<vmem>>) target_semaphore(%arg12 : memref<!tpu.dma_semaphore, #tpu.memory_space<semaphore_mem>>)
    %dma_wait3A = tpu.memref_slice %arg3[%min3A_3] : memref<100000xi32, #tpu.memory_space<hbm>> -> memref<6256xi32, #tpu.memory_space<hbm>>
    %dma_wait3A_7 = tpu.memref_slice %arg3[%min3A_3] : memref<100000xi32, #tpu.memory_space<hbm>> -> memref<6256xi32, #tpu.memory_space<hbm>>
    tpu.wait_dma2 semaphore(%arg12 : memref<!tpu.dma_semaphore, #tpu.memory_space<semaphore_mem>>) src(%dma_wait3A_7 : memref<6256xi32, #tpu.memory_space<hbm>>) dst(%arg8 : memref<6256xi32, #tpu.memory_space<vmem>>)
    %dma_wait3A_8 = tpu.memref_slice %arg2[%min3A_3] : memref<100000xf32, #tpu.memory_space<hbm>> -> memref<6256xf32, #tpu.memory_space<hbm>>
    %dma_wait3A_9 = tpu.memref_slice %arg2[%min3A_3] : memref<100000xf32, #tpu.memory_space<hbm>> -> memref<6256xf32, #tpu.memory_space<hbm>>
    tpu.wait_dma2 semaphore(%arg12 : memref<!tpu.dma_semaphore, #tpu.memory_space<semaphore_mem>>) src(%dma_wait3A_9 : memref<6256xf32, #tpu.memory_space<hbm>>) dst(%arg7 : memref<6256xf32, #tpu.memory_space<vmem>>)
    tpu.wait_dma2 semaphore(%arg12 : memref<!tpu.dma_semaphore, #tpu.memory_space<semaphore_mem>>) src(%arg4 : memref<64xf32, #tpu.memory_space<hbm>>) dst(%arg10 : memref<64xf32, #tpu.memory_space<vmem>>)
    tpu.wait_dma2 semaphore(%arg12 : memref<!tpu.dma_semaphore, #tpu.memory_space<semaphore_mem>>) src(%arg5 : memref<64xf32, #tpu.memory_space<hbm>>) dst(%arg11 : memref<64xf32, #tpu.memory_space<vmem>>)
    %scan3A = arith.constant 0 : i32
    %scan3A_10 = arith.constant 0 : i32
    %scan3A_11 = arith.constant 195 : i32
    %scan3A_12 = arith.addi %scan3A_10, %scan3A_11 : i32
    %scan3A_13 = arith.constant 1 : i32
    scf.for %scan3A_22 = %scan3A_10 to %scan3A_12 step %scan3A_13  : i32 {
      %mul3A_23 = arith.constant 32 : i32
      %mul3A_24 = arith.muli %scan3A_22, %mul3A_23 : i32
      %add3A_25 = arith.constant 0 : i32
      %add3A_26 = arith.addi %mul3A_24, %add3A_25 : i32
      %get3A_27 = arith.index_cast %add3A_26 : i32 to index
      %get3A_28 = tpu.vector_load %arg8[%get3A_27] {strides = array<i32>} : memref<6256xi32, #tpu.memory_space<vmem>>, vector<16xi32>,
      %gather3A_29 = tpu.vector_load_idx %arg10[%get3A_28] : memref<64xf32, #tpu.memory_space<vmem>>[vector<16xi32>], vector<16xf32>,
      %gather3A_30 = tpu.vector_load_idx %arg11[%get3A_28] : memref<64xf32, #tpu.memory_space<vmem>>[vector<16xi32>], vector<16xf32>,
      %get3A_31 = arith.index_cast %add3A_26 : i32 to index
      %get3A_32 = tpu.vector_load %arg7[%get3A_31] {strides = array<i32>} : memref<6256xf32, #tpu.memory_space<vmem>>, vector<16xf32>,
      %mul3A_33 = arith.mulf %gather3A_29, %get3A_32 : vector<16xf32>
      %add3A_34 = arith.addf %gather3A_30, %mul3A_33 : vector<16xf32>
      %swap3A_35 = arith.index_cast %add3A_26 : i32 to index
      %swap3A_36 = tpu.vector_load %arg9[%swap3A_35] {strides = array<i32>} : memref<6256xf32, #tpu.memory_space<vmem>>, vector<16xf32>,
      tpu.vector_store %arg9[%swap3A_35], %add3A_34 {strides = array<i32>} : memref<6256xf32, #tpu.memory_space<vmem>>, vector<16xf32>,
      %add3A_37 = arith.constant 16 : i32
      %add3A_38 = arith.addi %mul3A_24, %add3A_37 : i32
      %get3A_39 = arith.index_cast %add3A_38 : i32 to index
      %get3A_40 = tpu.vector_load %arg8[%get3A_39] {strides = array<i32>} : memref<6256xi32, #tpu.memory_space<vmem>>, vector<16xi32>,
      %gather3A_41 = tpu.vector_load_idx %arg10[%get3A_40] : memref<64xf32, #tpu.memory_space<vmem>>[vector<16xi32>], vector<16xf32>,
      %gather3A_42 = tpu.vector_load_idx %arg11[%get3A_40] : memref<64xf32, #tpu.memory_space<vmem>>[vector<16xi32>], vector<16xf32>,
      %get3A_43 = arith.index_cast %add3A_38 : i32 to index
      %get3A_44 = tpu.vector_load %arg7[%get3A_43] {strides = array<i32>} : memref<6256xf32, #tpu.memory_space<vmem>>, vector<16xf32>,
      %mul3A_45 = arith.mulf %gather3A_41, %get3A_44 : vector<16xf32>
      %add3A_46 = arith.addf %gather3A_42, %mul3A_45 : vector<16xf32>
      %swap3A_47 = arith.index_cast %add3A_38 : i32 to index
      %swap3A_48 = tpu.vector_load %arg9[%swap3A_47] {strides = array<i32>} : memref<6256xf32, #tpu.memory_space<vmem>>, vector<16xf32>,
      tpu.vector_store %arg9[%swap3A_47], %add3A_46 {strides = array<i32>} : memref<6256xf32, #tpu.memory_space<vmem>>, vector<16xf32>,
    }
    %scan3A_14 = arith.constant 195 : i32
    %get3A = arith.constant 6240 : index
    %get3A_15 = tpu.vector_load %arg8[%get3A] {strides = array<i32>} : memref<6256xi32, #tpu.memory_space<vmem>>, vector<16xi32>,
    %gather3A = tpu.vector_load_idx %arg10[%get3A_15] : memref<64xf32, #tpu.memory_space<vmem>>[vector<16xi32>], vector<16xf32>,
    %gather3A_16 = tpu.vector_load_idx %arg11[%get3A_15] : memref<64xf32, #tpu.memory_space<vmem>>[vector<16xi32>], vector<16xf32>,
    %get3A_17 = arith.constant 6240 : index
    %get3A_18 = tpu.vector_load %arg7[%get3A_17] {strides = array<i32>} : memref<6256xf32, #tpu.memory_space<vmem>>, vector<16xf32>,
    %mul3A_19 = arith.mulf %gather3A, %get3A_18 : vector<16xf32>
    %add3A_20 = arith.addf %gather3A_16, %mul3A_19 : vector<16xf32>
    %swap3A = arith.constant 6240 : index
    %swap3A_21 = tpu.vector_load %arg9[%swap3A] {strides = array<i32>} : memref<6256xf32, #tpu.memory_space<vmem>>, vector<16xf32>,
    tpu.vector_store %arg9[%swap3A], %add3A_20 {strides = array<i32>} : memref<6256xf32, #tpu.memory_space<vmem>>, vector<16xf32>,
    "tpu.region"() ({
      %run_scoped3A = tpu.sem_alloc : memref<!tpu.dma_semaphore, #tpu.memory_space<semaphore_mem>>
      %dma_start3A_22 = tpu.memref_slice %arg6[%min3A_3] : memref<100000xf32, #tpu.memory_space<hbm>> -> memref<6256xf32, #tpu.memory_space<hbm>>
      %dma_start3A_23 = tpu.memref_slice %arg6[%min3A_3] : memref<100000xf32, #tpu.memory_space<hbm>> -> memref<6256xf32, #tpu.memory_space<hbm>>
      tpu.enqueue_dma source(%arg9 : memref<6256xf32, #tpu.memory_space<vmem>>) target(%dma_start3A_23 : memref<6256xf32, #tpu.memory_space<hbm>>) target_semaphore(%run_scoped3A : memref<!tpu.dma_semaphore, #tpu.memory_space<semaphore_mem>>)
      %dma_wait3A_24 = tpu.memref_slice %arg6[%min3A_3] : memref<100000xf32, #tpu.memory_space<hbm>> -> memref<6256xf32, #tpu.memory_space<hbm>>
      %dma_wait3A_25 = tpu.memref_slice %arg6[%min3A_3] : memref<100000xf32, #tpu.memory_space<hbm>> -> memref<6256xf32, #tpu.memory_space<hbm>>
      tpu.wait_dma2 semaphore(%run_scoped3A : memref<!tpu.dma_semaphore, #tpu.memory_space<semaphore_mem>>) src(%arg9 : memref<6256xf32, #tpu.memory_space<vmem>>) dst(%dma_wait3A_25 : memref<6256xf32, #tpu.memory_space<hbm>>)
      tpu.yield
    }) : () -> ()
    return
  }
}

</mosaic_0001>

<sc_bundles>
// kernel: kernel.3.cloned.1.call-start
scs
__scs_entry_jumppad:
0x0: {  	(pc) =	sbr.rel $0x88, $3  }
0x1: {  	(tag) =	ssettag $0x0;
	lr =	simm.s32 $0x1  }
0x2: {  	[smem:$0x3F9D] =	sst lr;
	_ =	strace $0xD0000000  }
0x3: {  	_ = 	snop  }
0x4: {  	_ = 	snop  }
0x5: {  	_ = 	snop  }
0x6: {  	_ = 	snop  }
0x7: {  	_ = 	snop  }
__scs_overlays_trampoline_lowered:
0x8: {  	[smem:$0x3FAC] =	sst s0  }
0x9: {  	[smem:$0x3FAD] =	sst s1  }
0xa: {  	[smem:$0x3FAE] =	sst s2  }
0xb: {  	[smem:$0x3FAF] =	sst s3  }
0xc: {  	[smem:$0x3FB0] =	sst s4  }
0xd: {  	[smem:$0x3FB1] =	sst s5  }
0xe: {  	[smem:$0x3FB2] =	sst s6  }
0xf: {  	[smem:$0x3FB3] =	sst s7  }
0x10: {  	[smem:$0x3FB4] =	sst s8  }
0x11: {  	[smem:$0x3FB5] =	sst s9;
	s0 =	simm.s32 @!p0 $0x0  }
0x12: {  	s1 =	sld [smem:$0x3F9B];
	s0 =	simm.s32 @p0 $0x1  }
0x13: {  	[smem:$0x3FB6] =	sst s0;
	s0 =	simm.s32 @!p1 $0x0  }
0x14: {  	s2 =	sld [smem:$0x3F9A];
	s0 =	simm.s32 @p1 $0x1  }
0x15: {  	[smem:$0x3FB7] =	sst s0;
	s0 =	simm.s32 @!p2 $0x0  }
0x16: {  	s3 =	sld [smem:$0x3FDB];
	s0 =	simm.s32 @p2 $0x1  }
0x17: {  	s4 =	simm.s32 $0x1BF5;
	[smem:$0x3FB9] =	sst s0  }
0x18: {  	s0 =	sld [smem:$0x3F9C];
	_ =	swait.ge [sflag:s4], $0x0  }
0x19: {  	s7 =	sld [smem:$0x3F9D]  }
0x1a: {  	s8 =	sadd.s32 $0xFFFFE003, lr  }
0x1b: {  	s9 =	sadd.s32 $0xFFFFFEF7, lr;
	s5 =	simm.s32 $0xFFFFFFFF;
	p2 =	slt.u32 s8, $0xFFFFF086  }
0x1c: {  	p1 =	slt.u32 s9, $0xF7A;
	s5 =	simm.s32 @!p2 $0x0  }
0x1d: {  	s5 =	simm.s32 @p1 $0x1;
	p0 =	seq.s32 s7, s2  }
0x1e: {  	s7 =	smul.u32 @!p0 $0xF7A, s2;
	p2 =	seq.s32 @!p0 s5, $0x0  }
0x1f: {  	s9 =	smul.u32 $0xF7A, s1;
	s8 =	simm.s32 @!p0 $0x1BF5;
	p2 =	por !p2, p0  }
0x20: {  	[sflag:s8] =	ssyncset.s32 @!p0 $0xFFFFF086;
	s6 =	sadd.s32 @!p0 s3, s7;
	s7 =	simm.s32 @!p0 $0x108  }
0x21: {  	s3 =	sadd.s32 s3, s9;
	s6 =	sadd.s32 @!p0 $0x88, s6;
	s7 =	simm.s32 @p2 $0x1082  }
0x22: {  	[simem:s7], [sflag:s8] =	dma.local @!p0 [hbm:s6], $0xF7A  }
0x23: {  	s9 =	sor.u32 $0xD0000000, s2;
	s6 =	simm.s32 $0x108;
	_ =	swait.ge @!p0 [sflag:s8], $0x0  }
0x24: {  	s3 =	sadd.s32 $0x88, s3;
	s6 =	simm.s32 @!p1 $0x1082;
	[sflag:s4] =	ssyncset.s32 $0xFFFFF086  }
0x25: {  	[simem:s6], [sflag:s4] =	dma.local [hbm:s3], $0xF7A  }
0x26: {  	[smem:$0x3F9D] =	sst s1;
	(tag) =	ssettag s2;
	_ =	strace s9  }
0x27: {  	s1 =	sld [smem:$0x3FAD]  }
0x28: {  	s2 =	sld [smem:$0x3FAE]  }
0x29: {  	s4 =	sld [smem:$0x3FB0]  }
0x2a: {  	p0 =	seq.s32 s5, $0x0;
	s5 =	sld [smem:$0x3FB1]  }
0x2b: {  	s6 =	sld [smem:$0x3FB2]  }
0x2c: {  	s7 =	sld [smem:$0x3FB3]  }
0x2d: {  	s3 =	simm.s32 $0x108;
	s8 =	sld [smem:$0x3FB4]  }
0x2e: {  	s3 =	simm.s32 @!p0 $0x1082;
	s9 =	sld [smem:$0x3FB5]  }
0x2f: {  	lr =	sadd.s32 s0, s3;
	s0 =	sld [smem:$0x3FAC]  }
0x30: {  	s3 =	sld [smem:$0x3FAF]  }
0x31: {  	[smem:$0x3FB8] =	sst s10  }
0x32: {  	s10 =	sld [smem:$0x3FB6];
	_ =	sdelay $0x3  }
0x33: {  	p0 =	seq.s32 s10, $0x1;
	s10 =	sld [smem:$0x3FB8];
	_ =	sdelay $0x3  }
0x34: {  	[smem:$0x3FB8] =	sst s10  }
0x35: {  	s10 =	sld [smem:$0x3FB7];
	_ =	sdelay $0x3  }
0x36: {  	p1 =	seq.s32 s10, $0x1;
	s10 =	sld [smem:$0x3FB8];
	_ =	sdelay $0x3  }
0x37: {  	[smem:$0x3FB8] =	sst s10  }
0x38: {  	s10 =	sld [smem:$0x3FB9]  }
0x39: {  	_ = 	snop;
	(pc) =	sbr.ind lr, $3  }
0x3a: {  	_ = 	snop  }
0x3b: {  	_ = 	snop  }
0x3c: {  	p2 =	seq.s32 s10, $0x1;
	s10 =	sld [smem:$0x3FB8]  }
0x3d: {  	_ =	shalt  }
0x3e: {  	_ =	shalt  }
0x3f: {  	_ =	shalt  }
0x40: {  	_ =	shalt  }
0x41: {  	_ =	shalt  }
0x42: {  	_ =	shalt  }
0x43: {  	_ =	shalt  }
0x44: {  	_ =	shalt  }
0x45: {  	_ =	shalt  }
0x46: {  	_ =	shalt  }
0x47: {  	_ =	shalt  }
0x48: {  	_ =	shalt  }
0x49: {  	_ =	shalt  }
0x4a: {  	_ =	shalt  }
0x4b: {  	_ =	shalt  }
0x4c: {  	_ =	shalt  }
0x4d: {  	_ =	shalt  }
0x4e: {  	_ =	shalt  }
0x4f: {  	_ =	shalt  }
0x50: {  	_ =	shalt  }
0x51: {  	_ =	shalt  }
0x52: {  	_ =	shalt  }
0x53: {  	_ =	shalt  }
0x54: {  	_ =	shalt  }
0x55: {  	_ =	shalt  }
0x56: {  	_ =	shalt  }
0x57: {  	_ =	shalt  }
0x58: {  	_ =	shalt  }
0x59: {  	_ =	shalt  }
0x5a: {  	_ =	shalt  }
0x5b: {  	_ =	shalt  }
0x5c: {  	_ =	shalt  }
0x5d: {  	_ =	shalt  }
0x5e: {  	_ =	shalt  }
0x5f: {  	_ =	shalt  }
0x60: {  	_ =	shalt  }
0x61: {  	_ =	shalt  }
0x62: {  	_ =	shalt  }
0x63: {  	_ =	shalt  }
0x64: {  	_ =	shalt  }
0x65: {  	_ =	shalt  }
0x66: {  	_ =	shalt  }
0x67: {  	_ =	shalt  }
0x68: {  	_ =	shalt  }
0x69: {  	_ =	shalt  }
0x6a: {  	_ =	shalt  }
0x6b: {  	_ =	shalt  }
0x6c: {  	_ =	shalt  }
0x6d: {  	_ =	shalt  }
0x6e: {  	_ =	shalt  }
0x6f: {  	_ =	shalt  }
0x70: {  	_ =	shalt  }
0x71: {  	_ =	shalt  }
0x72: {  	_ =	shalt  }
0x73: {  	_ =	shalt  }
0x74: {  	_ =	shalt  }
0x75: {  	_ =	shalt  }
0x76: {  	_ =	shalt  }
0x77: {  	_ =	shalt  }
0x78: {  	_ =	shalt  }
0x79: {  	_ =	shalt  }
0x7a: {  	_ =	shalt  }
0x7b: {  	_ =	shalt  }
0x7c: {  	_ =	shalt  }
0x7d: {  	_ =	shalt  }
0x7e: {  	_ =	shalt  }
0x7f: {  	_ =	shalt  }
0x80: {  	_ =	shalt  }
0x81: {  	_ =	shalt  }
0x82: {  	_ =	shalt  }
0x83: {  	_ =	shalt  }
0x84: {  	_ =	shalt  }
0x85: {  	_ =	shalt  }
0x86: {  	_ =	shalt  }
0x87: {  	_ =	shalt  }
.Lfunc_end0:
.L_simem_size_0:
called_computation_lowered:
.L_overlay_start_0:
0x88: {  	s0 =	sld [smem:$0x3FD9]  }
0x89: {  	s1 =	sld [smem:$0x3FFE];
	_ =	sdelay $0x3  }
0x8a: {  	s0 =	sadd.s32 s1, s0  }
0x8b: {  	[smem:$0x3FC4] =	sst s0  }
0x8c: {  	_ = 	snop  }
0x8d: {  	s0 =	sld [smem:$0x3FC8]  }
0x8e: {  	s16 =	sld [smem:$0x3FC7]  }
0x8f: {  	s2 =	sld [smem:$0x3FC6];
	(tm) =	ssettm $0x1  }
0x90: {  	s3 =	sld [smem:$0x3FFB];
	_ =	sdelay $0x3  }
0x91: {  	_ =	strace s3  }
0x92: {  	s3 =	sld [smem:$0x3FFC];
	_ =	sdelay $0x3  }
0x93: {  	_ =	strace s3  }
0x94: {  	s3 =	sld [smem:$0x3FFD];
	_ =	sdelay $0x3  }
0x95: {  	_ =	strace s3  }
0x96: {  	_ =	strace $0x8FFFFFFF  }
0x97: {  	s17 =	sld [smem:$0x3FDB];
	_ =	sdelay $0x1  }
0x98: {  	s4 =	simm.s32 $_scs_section_size  }
0x99: {  	s5 =	simm.s32 $_size__tile_overlayer_lowered;
	s6 =	simm.s32 $_tile_overlayer_lowered  }
0x9a: {  	s20 =	simm.s32 $0x1BFF;
	s19 =	sshll.u32 s6, $0x1;
	s3 =	sadd.s32 s4, s17  }
0x9b: {  	s7 =	simm.s32 $0x0;
	s18 =	sshll.u32 s5, $0x1;
	s5 =	sadd.s32 s19, s3  }
0x9c: {  	[timem:s7], [sflag:s20] =	dma.local [hbm:s5], s18  }
0x9d: {  	_ =	swait.ge [sflag:s20], s18  }
0x9e: {  	s4 =	ssub.s32 $0x0, s18;
	[sflag:s20] =	ssyncset.done $0x0  }
0x9f: {  	[sflag:s20] =	ssyncadd.s32 s4;
	_ =	sdelay $0x1  }
0xa0: {  	s21 =	simm.s32 $0x1B8B  }
0xa1: {  	_ =	swait.ge [sflag:s21], $0x1  }
0xa2: {  	[sflag:s21] =	ssyncset.done $0x0  }
0xa3: {  	s23 =	simm.s32 $0x1B8E;
	s22 =	sld [smem:$0x3FFE];
	[sflag:s21] =	ssyncadd.s32 $0xFFFFFFFF  }
0xa4: {  	s24 =	simm.s32 $execute0_lowered;
	[smem:$0x3FD2] =	sst s23  }
0xa5: {  	s5 =	sshll.u32 s24, $0x1;
	_ =	strace $0x80000046;
	[dreg:$0x1] =	wrdreg $0xFFFFFFFF  }
0xa6: {  	s25 =	simm.s32 $_size_execute0_lowered;
	s3 =	sadd.s32 s3, s5;
	[dreg:$0x0] =	wrdreg $0x0  }
0xa7: {  	s5 =	sshll.u32 s25, $0x1;
	[dreg:$0x2] =	wrdreg s3  }
0xa8: {  	[dreg:$0x3] =	wrdreg s5  }
0xa9: {  	[dreg:$0x4] =	wrdreg $0xC0  }
0xaa: {  	_ =	task [dreg:s7], $0x5FFFF  }
0xab: {  	[dreg:$0x1] =	wrdreg $0xFFFFFFFF  }
0xac: {  	[dreg:$0x0] =	wrdreg $0x60  }
0xad: {  	[dreg:$0x2] =	wrdreg s22  }
0xae: {  	[dreg:$0x3] =	wrdreg s0  }
0xaf: {  	[dreg:$0x4] =	wrdreg s16  }
0xb0: {  	[dreg:$0x5] =	wrdreg s2  }
0xb1: {  	[dreg:$0x6] =	wrdreg $0x9  }
0xb2: {  	_ =	task.clear_ibuf [dreg:s7], $0x7FFFF;
	_ =	strace $0x90000046  }
0xb3: {  	s26 =	simm.s32 $0x9;
	_ =	strace $0x80000048  }
0xb4: {  	_ =	swait.ge [sflag:s26], $0x1  }
0xb5: {  	[sflag:s26] =	ssyncadd.s32 $0xFFFFFFFF  }
0xb6: {  	_ =	strace $0x90000048  }
0xb7: {  	_ =	sfence  }
0xb8: {  	s28 =	sld [smem:$0x0];
	_ =	sdelay $0x1  }
0xb9: {  	s29 =	srdreg.scid  }
0xba: {  	s30 =	sshll.u32 s29, $0xD;
	s31 =	sshrl.u32 s29, $0x2  }
0xbb: {  	s1 =	sand.u32 $0x1, s29;
	s2 =	sand.u32 $0x4000, s30;
	s0 =	sadd.s32 s31, s28  }
0xbc: {  	s1 =	sor.u32 s2, s1;
	s0 =	sshll.u32 s0, $0x11  }
0xbd: {  	s0 =	sor.u32 s0, s1  }
0xbe: {  	s0 =	sadd.s32 $0x8F2B, s0  }
0xbf: {  	[sflag:s0] =	ssyncadd.remote.s32 $0x1  }
0xc0: {  	_ =	sfence.sel $0xFFFF  }
0xc1: {  	[dreg:$0x0] =	wrdreg $0xFFFFFFFF;
	(pc) =	sbr.abs _section_cstart, $3  }
0xc2: {  	[dreg:$0x1] =	wrdreg $0xFFFFFFFF  }
0xc3: {  	_ =	task.clear_ibuf [dreg:s7], $0x2FFFF;
	_ =	strace $0x9FFFFFFF  }
0xc4: {  	(tm) =	ssettm $0x7FFFFFFF  }
0xc5: {  	_ =	shalt  }
tec
execute0_lowered:
.L_overlay_start_1:
0x0: {  	(tag) =	ssettag $0x1  }
0x1: {  	s5 =	rddreg [dreg:$0x0]  }
0x2: {  	s3 =	rddreg [dreg:$0x1];
	s0 =	stileid.u32  }
0x3: {  	s4 =	rddreg [dreg:$0x2];
	s2 =	smul.u32 $0x1870, s0  }
0x4: {  	s6 =	rddreg [dreg:$0x3]  }
0x5: {  	s1 =	rddreg [dreg:$0x4];
	s7 =	simm.s32 $0x0;
	s2 =	smin.u32 s2, $0x16E30  }
0x6: {  	[smem:$0x7FF] =	sst s7;
	s2 =	sshrl.u32 s2, $0x3  }
0x7: {  	s8 =	simm.s32 $0x1880;
	_ =	strace $0x80000047;
	s3 =	sadd.s32 s3, s2  }
0x8: {  	[tilespmem:s8], [sflag:$0x1] =	stream.linear.gather [hbm4b:s3+s7], $0x1870, $0x38;
	[tilespmem:$0x4A80] =	vst v63  }
0x9: {  	s30 =	sadd.s32 s5, s2  }
0xa: {  	[tilespmem:s7], [sflag:$0x1] =	stream.linear.gather [hbm4b:s30+s7], $0x1870, $0x38;
	[tilespmem:$0x4A80] =	vst v63  }
0xb: {  	s3 =	simm.s32 $0x4980  }
0xc: {  	[tilespmem:s3], [sflag:$0x1] =	stream.linear.gather [hbm4b:s4+s7], $0x80, $0x38;
	[tilespmem:$0x4A80] =	vst v63  }
0xd: {  	s31 =	simm.s32 $0x1;
	s4 =	simm.s32 $0x4A00  }
0xe: {  	[tilespmem:s4], [sflag:$0x1] =	stream.linear.gather [hbm4b:s6+s7], $0x80, $0x38;
	[tilespmem:$0x4A80] =	vst v63  }
0xf: {  	_ =	swait.ge [sflag:s31], $0x1870  }
0x10: {  	[sflag:s31] =	ssyncset.done $0x0  }
0x11: {  	[sflag:s31] =	ssyncadd.s32 $0xFFFFE790  }
0x12: {  	_ =	swait.ge [sflag:s31], $0x1870  }
0x13: {  	[sflag:s31] =	ssyncset.done $0x0  }
0x14: {  	[sflag:s31] =	ssyncadd.s32 $0xFFFFE790  }
0x15: {  	_ =	swait.ge [sflag:s31], $0x80  }
0x16: {  	[sflag:s31] =	ssyncset.done $0x0  }
0x17: {  	[sflag:s31] =	ssyncadd.s32 $0xFFFFFF80  }
0x18: {  	_ =	swait.ge [sflag:s31], $0x80  }
0x19: {  	[sflag:s31] =	ssyncset.done $0x0  }
0x1a: {  	s6 =	simm.s32 $0x0;
	[sflag:s31] =	ssyncadd.s32 $0xFFFFFF80  }
0x1b: {  	v0 =	vld [tilespmem:s6+$0x1880];
	_ =	sdelay $0x6  }
0x1c: {  	v1 =	vld [tilespmem:s6+$0x0]  }
0x1d: {  	v2 =	vld.idx.msk [tilespmem:v0+s3+$0x0], $0xffff  }
0x1e: {  	v3 =	vld [tilespmem:s6+$0x1890]  }
0x1f: {  	v0 =	vld.idx.msk [tilespmem:v0+s4+$0x0], $0xffff;
	_ =	sdelay $0x2  }
0x20: {  	v1 =	vmul.f32 v1, v2;
	_ =	sdelay $0x1  }
0x21: {  	v0 =	vadd.f32 v1, v0;
	_ =	sdelay $0x1  }
0x22: {  	[tilespmem:s6+$0x3100] =	vst v0;
	v0 =	vld [tilespmem:s6+$0x10]  }
0x23: {  	v1 =	vld.idx.msk [tilespmem:v3+s3+$0x0], $0xffff  }
0x24: {  	s5 =	sadd.s32 $0x3200, s5;
	s8 =	simm.s32 $0x20;
	s7 =	simm.s32 $0x100;
	v2 =	vld.idx.msk [tilespmem:v3+s4+$0x0], $0xffff  }
.LBB2_1:
0x25: {  	p0 =	sne.s32 s7, $0x6100;
	v3 =	vld [tilespmem:s8+$0x1880];
	_ =	sdelay $0x2  }
0x26: {  	v0 =	vmul.f32 v0, v1;
	_ =	sdelay $0x1  }
0x27: {  	v0 =	vadd.f32 v0, v2;
	_ =	sdelay $0x1  }
0x28: {  	v1 =	vld [tilespmem:s8+$0x0];
	[tilespmem:s6+$0x3110] =	vst v0;
	s6 =	smov.u32 s8  }
0x29: {  	v0 =	vld.idx.msk [tilespmem:v3+s3+$0x0], $0xffff  }
0x2a: {  	v2 =	vld.idx.msk [tilespmem:v3+s4+$0x0], $0xffff;
	_ =	sdelay $0x1  }
0x2b: {  	v3 =	vld [tilespmem:s6+$0x1890];
	_ =	sdelay $0x2  }
0x2c: {  	v0 =	vmul.f32 v1, v0;
	_ =	sdelay $0x1  }
0x2d: {  	v0 =	vadd.f32 v0, v2  }
.Ltmp0:
0x2e: {  	(pc) =	sbr.rel @p0 .LBB2_1-.Ltmp0, $4  }
0x2f: {  	[tilespmem:s6+$0x3100] =	vst v0;
	v0 =	vld [tilespmem:s6+$0x10]  }
0x30: {  	v1 =	vld.idx.msk [tilespmem:v3+s3+$0x0], $0xffff  }
0x31: {  	v2 =	vld.idx.msk [tilespmem:v3+s4+$0x0], $0xffff  }
0x32: {  	s8 =	sshra.s32 s7, $0x2;
	s7 =	sadd.s32 $0x80, s7  }
0x33: {  	v3 =	vld [tilespmem:s8+$0x1880];
	_ =	sdelay $0x2  }
0x34: {  	v0 =	vmul.f32 v0, v1;
	_ =	sdelay $0x1  }
0x35: {  	v0 =	vadd.f32 v0, v2;
	_ =	sdelay $0x1  }
0x36: {  	v56 =	vld [tilespmem:s8+$0x0];
	[tilespmem:s6+$0x3110] =	vst v0  }
0x37: {  	v0 =	vld.idx.msk [tilespmem:v3+s3+$0x0], $0xffff  }
0x38: {  	v58 =	vld [tilespmem:s8+$0x1890]  }
0x39: {  	v57 =	vld.idx.msk [tilespmem:v3+s4+$0x0], $0xffff;
	_ =	sdelay $0x2  }
0x3a: {  	v0 =	vmul.f32 v56, v0;
	_ =	sdelay $0x1  }
0x3b: {  	v0 =	vadd.f32 v0, v57;
	_ =	sdelay $0x1  }
0x3c: {  	v59 =	vld [tilespmem:s8+$0x10];
	[tilespmem:s8+$0x3100] =	vst v0  }
0x3d: {  	v60 =	vld.idx.msk [tilespmem:v58+s3+$0x0], $0xffff;
	_ =	sdelay $0x1  }
0x3e: {  	v61 =	vld.idx.msk [tilespmem:v58+s4+$0x0], $0xffff;
	_ =	sdelay $0x2  }
0x3f: {  	v0 =	vmul.f32 v59, v60;
	_ =	sdelay $0x1  }
0x40: {  	v0 =	vadd.f32 v0, v61;
	_ =	sdelay $0x1  }
0x41: {  	[tilespmem:s8+$0x3110] =	vst v0  }
0x42: {  	v0 =	vld [tilespmem:$0x30E0];
	_ =	sdelay $0x6  }
0x43: {  	s26 =	simm.s32 $0x4980;
	v63 =	vld [tilespmem:$0x1860]  }
0x44: {  	v62 =	vld.idx.msk [tilespmem:v0+s26+$0x0], $0xffff  }
0x45: {  	s28 =	simm.s32 $0x4A00  }
0x46: {  	v0 =	vld.idx.msk [tilespmem:v0+s28+$0x0], $0xffff;
	_ =	sdelay $0x2  }
0x47: {  	v1 =	vmul.f32 v63, v62;
	_ =	sdelay $0x1  }
0x48: {  	v0 =	vadd.f32 v1, v0  }
0x49: {  	s2 =	sadd.s32 s5, s2  }
0x4a: {  	s29 =	simm.s32 $0x0;
	s30 =	simm.s32 $0x3100;
	s31 =	simm.s32 $0x2;
	[tilespmem:$0x4960] =	vst v0  }
0x4b: {  	[hbm4b:s2+s29] =	stream.linear.scatter [tilespmem:s30], [sflag:$0x2], $0x1870, $0x38;
	[tilespmem:$0x4A80] =	vst v63  }
0x4c: {  	_ =	swait.ge [sflag:s31], $0x1870  }
0x4d: {  	[sflag:s31] =	ssyncset.done $0x0  }
0x4e: {  	[sflag:s31] =	ssyncadd.s32 $0xFFFFE790  }
0x4f: {  	_ =	sfence.sel $0x180000  }
0x50: {  	[bflag:$0x0] =	sbarrier.arrive $0xFFFF  }
0x51: {  	p0 =	sne.s32 s0, $0x0;
	_ =	strace $0x90000047  }
0x52: {  	s0 =	sadd.s32 @!p0 $0x100000, s1;
	[bflag:$0x2] =	sbarrier.arrive $0xFFFF  }
0x53: {  	[sflag:s0] =	ssyncadd.tile.s32 @!p0 $0x1;
	_ =	shalt  }
.Lfunc_end2:
_tile_overlayer_lowered:
.L_overlay_start_2:
0x54: {  	(tag) =	ssettag $0x2  }
0x55: {  	s0 =	rddreg [dreg:$0x0];
	s2 =	stileid.u32  }
0x56: {  	s1 =	rddreg [dreg:$0x1];
	p0 =	sne.s32 s2, $0x0  }
0x57: {  	s3 =	rddreg [dreg:$0x2];
	[bflag:$0x3] =	sbarrier.arrive $0xFFFF;
	s2 =	simm.s32 @!p0 $0x1C02  }
0x58: {  	[timem:s3], [sflag:s2] =	dma.local @!p0 [hbm:s0], s1  }
0x59: {  	s0 =	simm.s32 @!p0 $0x2  }
0x5a: {  	_ =	swait.ge @!p0 [sflag:s0], s1  }
0x5b: {  	s1 =	ssub.s32 @!p0 $0x0, s1;
	[sflag:s0] =	ssyncset.done @!p0 $0x0  }
0x5c: {  	[sflag:s0] =	ssyncadd.s32 @!p0 s1  }
0x5d: {  	[bflag:$0x3] =	sbarrier.arrive $0xFFFF  }
0x5e: {  	_ =	shalt  }

</sc_bundles>
